<compile_context>
chip_gen: v7x
topology: tpu7x:2x2x1
jax: 0.10.2.dev20260603
libtpu: 0.0.44.dev20260713+nightly
codegen_flags: <defaults>
</compile_context>

<pallas_src>
import functools
import math

import jax
import jax.numpy as jnp
from jax import lax
from jax.experimental import pallas as pl
from jax.experimental.pallas import tpu as pltpu
from jax.experimental.pallas import tpu_sc as plsc

SCALE_C = 64.0
MARGIN_C = 0.5

_SC_CORES = 2
_SC_SUBCORES = 16


def _sc_gather_rows(table, idx, b):
    n_workers = _SC_CORES * _SC_SUBCORES
    b_per_w = b // n_workers
    d = table.shape[1]
    mesh = plsc.VectorSubcoreMesh(core_axis_name="c", subcore_axis_name="s")

    @functools.partial(
        pl.kernel,
        mesh=mesh,
        out_type=jax.ShapeDtypeStruct((b, d), jnp.float32),
        scratch_types=[
            pltpu.VMEM((b_per_w,), jnp.int32),
            pltpu.VMEM((b_per_w, d), jnp.float32),
            pltpu.SemaphoreType.DMA,
        ],
    )
    def gather_kernel(table_hbm, idx_hbm, out_hbm, idx_v, rows_v, sem):
        wid = lax.axis_index("s") * _SC_CORES + lax.axis_index("c")
        base = wid * b_per_w
        pltpu.sync_copy(idx_hbm.at[pl.ds(base, b_per_w)], idx_v)
        pltpu.async_copy(table_hbm.at[idx_v], rows_v, sem).wait()
        pltpu.sync_copy(rows_v, out_hbm.at[pl.ds(base, b_per_w)])

    return gather_kernel(table, idx)


def _tc_body(cos_m, sin_m, threshold, mm, inv_b, rc,
             x_ref, tlf_ref, tgt_ref, t_ref,
             o_ref, ctm_s, ftl_s, tnew_s):
    i = pl.program_id(0)

    @pl.when(i == 0)
    def _prologue():
        tlf = jnp.clip(tlf_ref[...], -1.0, 1.0)
        diag = (lax.broadcasted_iota(jnp.int32, tlf.shape, 0)
                == lax.broadcasted_iota(jnp.int32, tlf.shape, 1))
        tl = jnp.sum(jnp.where(diag, tlf, 0.0), axis=0, keepdims=True)
        tnew_s[0, 0] = jnp.sum(tl) * (0.01 * inv_b) + 0.99 * t_ref[0, 0]
        sin_theta = jnp.sqrt(jnp.maximum(1.0 - tl * tl, 0.0))
        ctm = tl * cos_m - sin_theta * sin_m
        ctm_s[...] = ctm
        ftl_s[...] = jnp.where(tl > threshold, ctm, tl - mm) * SCALE_C

    t_new = tnew_s[0, 0]
    ctm = ctm_s[...]
    ftl = ftl_s[...]
    ct = jnp.clip(x_ref[...], -1.0, 1.0)
    s = ct * SCALE_C
    r = jnp.where(ct > ctm, s * (t_new + ct), s)
    row = lax.broadcasted_iota(jnp.int32, r.shape, 0) + i * rc
    o_ref[...] = jnp.where(row == tgt_ref[...], ftl, r)


def kernel(cos_theta, targets, t):
    b, c = cos_theta.shape
    cos_m = math.cos(MARGIN_C)
    sin_m = math.sin(MARGIN_C)
    threshold = math.cos(math.pi - MARGIN_C)
    mm = math.sin(math.pi - MARGIN_C) * MARGIN_C

    ct_t = cos_theta.T
    t32 = targets.astype(jnp.int32)
    tlf = _sc_gather_rows(ct_t, t32, b)
    tgt2 = t32[None, :]
    t2 = t.reshape(1, 1).astype(jnp.float32)

    rc = 512
    grid = (pl.cdiv(c, rc),)
    body = functools.partial(_tc_body, cos_m, sin_m, threshold, mm, 1.0 / b,
                             rc)
    out_t = pl.pallas_call(
        body,
        grid=grid,
        in_specs=[
            pl.BlockSpec((rc, b), lambda i: (i, 0)),
            pl.BlockSpec((b, b), lambda i: (0, 0)),
            pl.BlockSpec((1, b), lambda i: (0, 0)),
            pl.BlockSpec((1, 1), lambda i: (0, 0)),
        ],
        out_specs=pl.BlockSpec((rc, b), lambda i: (i, 0)),
        out_shape=jax.ShapeDtypeStruct((c, b), jnp.float32),
        scratch_shapes=[
            pltpu.VMEM((1, b), jnp.float32),
            pltpu.VMEM((1, b), jnp.float32),
            pltpu.SMEM((1, 1), jnp.float32),
        ],
    )(ct_t, tlf, tgt2, t2)
    return out_t.T

# --- scband reference (transcript-rebuilt; emitter-appended) ---
"""Pipeline reference for scband-arc-softmax-50637664420268 (READ-ONLY COPY).

The authoritative reference and input builder live on the scoring server;
editing this copy changes nothing except your own understanding.
"""

import math
import jax, jax.numpy as jnp
import numpy as np

SCALE = 64.0
MARGIN = 0.5
B = 1024
NUM_CLASSES = 100000


def setup_inputs(seed: int = 0) -> dict:
    key = jax.random.key(seed)
    k1, k2 = jax.random.split(key)
    cos_theta = jax.random.uniform(k1, (B, NUM_CLASSES), dtype=jnp.float32)  # fill=rand, in [0,1)
    targets = jax.random.randint(k2, (B,), 0, NUM_CLASSES, dtype=jnp.int32)
    t = jnp.zeros((1,), dtype=jnp.float32)  # registered buffer 't', initialized to zeros(1)
    return {"cos_theta": cos_theta, "targets": targets, "t": t}


def reference(cos_theta, targets, t):
    cos_m = math.cos(MARGIN)
    sin_m = math.sin(MARGIN)
    threshold = math.cos(math.pi - MARGIN)
    mm = math.sin(math.pi - MARGIN) * MARGIN

    ct = jnp.clip(cos_theta, -1.0, 1.0)
    rows = jnp.arange(ct.shape[0])
    target_logit = ct[rows, targets][:, None]                      # gather: [B, 1]
    sin_theta = jnp.sqrt(1.0 - jnp.square(target_logit))
    cos_theta_m = target_logit * cos_m - sin_theta * sin_m
    mask = ct > cos_theta_m                                        # broadcast compare [B, C]
    final_target_logit = jnp.where(target_logit > threshold,
                                   cos_theta_m,
                                   target_logit - mm)
    # buffer update under no_grad: t = mean(target_logit)*0.01 + 0.99*t, then used below
    t_new = jax.lax.stop_gradient(jnp.mean(target_logit) * 0.01 + (1.0 - 0.01) * t)
    # cos_theta[mask] = hard_example * (t + hard_example)
    ct = jnp.where(mask, ct * (t_new + ct), ct)
    # scatter target-column overwrite
    ct = ct.at[rows, targets].set(final_target_logit[:, 0])
    pred_class_logits = ct * SCALE
    return pred_class_logits

if __name__ == "__main__":
    import jax
    _d = setup_inputs()
    print(jax.jit(kernel)(*tuple(_d.values())))

</pallas_src>

<mosaic_0001>
#map = affine_map<(d0, d1) -> (0, 0)>
#map1 = affine_map<(d0, d1) -> (0)>
module attributes {stable_mosaic.version = 14 : i64} {
  func.func @gather_kernel(%arg0: i32, %arg1: i32, %arg2: memref<100000x1024xf32, #tpu.memory_space<hbm>>, %arg3: memref<1024xi32, #tpu.memory_space<hbm>>, %arg4: memref<1024x1024xf32, #tpu.memory_space<hbm>>, %arg5: memref<32xi32, #tpu.memory_space<vmem>>, %arg6: memref<32x1024xf32, #tpu.memory_space<vmem>>, %arg7: memref<!tpu.dma_semaphore, #tpu.memory_space<semaphore_mem>>) attributes {dimension_semantics = [#tpu.dimension_semantics<core_parallel>, #tpu.dimension_semantics<subcore_parallel>], iteration_bounds = array<i64: 2, 16>, scalar_prefetch = 0 : i64, scratch_operands = 3 : i64, tpu.core_type = #tpu.core_type<sc_vector_subcore>, window_params = [{transform_indices = #map}, {transform_indices = #map1}, {transform_indices = #map}]} {
    %mul3A = arith.constant 2 : i32
    %mul3A_0 = arith.muli %arg1, %mul3A : i32
    %add3A = arith.addi %mul3A_0, %arg0 : i32
    %mul3A_1 = arith.constant 32 : i32
    %mul3A_2 = arith.muli %add3A, %mul3A_1 : i32
    "tpu.region"() ({
      %run_scoped3A = tpu.sem_alloc : memref<!tpu.dma_semaphore, #tpu.memory_space<semaphore_mem>>
      %dma_start3A_7 = tpu.memref_slice %arg3[%mul3A_2] : memref<1024xi32, #tpu.memory_space<hbm>> -> memref<32xi32, #tpu.memory_space<hbm>>
      %dma_start3A_8 = tpu.memref_slice %arg3[%mul3A_2] : memref<1024xi32, #tpu.memory_space<hbm>> -> memref<32xi32, #tpu.memory_space<hbm>>
      tpu.enqueue_dma source(%dma_start3A_8 : memref<32xi32, #tpu.memory_space<hbm>>) target(%arg5 : memref<32xi32, #tpu.memory_space<vmem>>) target_semaphore(%run_scoped3A : memref<!tpu.dma_semaphore, #tpu.memory_space<semaphore_mem>>)
      %dma_wait3A_9 = tpu.memref_slice %arg3[%mul3A_2] : memref<1024xi32, #tpu.memory_space<hbm>> -> memref<32xi32, #tpu.memory_space<hbm>>
      %dma_wait3A_10 = tpu.memref_slice %arg3[%mul3A_2] : memref<1024xi32, #tpu.memory_space<hbm>> -> memref<32xi32, #tpu.memory_space<hbm>>
      tpu.wait_dma2 semaphore(%run_scoped3A : memref<!tpu.dma_semaphore, #tpu.memory_space<semaphore_mem>>) src(%dma_wait3A_10 : memref<32xi32, #tpu.memory_space<hbm>>) dst(%arg5 : memref<32xi32, #tpu.memory_space<vmem>>)
      tpu.yield
    }) : () -> ()
    %dma_start3A = arith.constant 0 : i32
    %dma_start3A_3 = arith.constant 0 : i32
    %dma_start3A_4 = tpu.memref_slice %arg2[%dma_start3A, %dma_start3A_3] : memref<100000x1024xf32, #tpu.memory_space<hbm>> -> memref<100000x1024xf32, #tpu.memory_space<hbm>>
    tpu.enqueue_indirect_dma source(%dma_start3A_4 : memref<100000x1024xf32, #tpu.memory_space<hbm>>) target(%arg6 : memref<32x1024xf32, #tpu.memory_space<vmem>>) offsets(%arg5 : memref<32xi32, #tpu.memory_space<vmem>>) semaphore(%arg7 : memref<!tpu.dma_semaphore, #tpu.memory_space<semaphore_mem>>)
    %dma_wait3A = arith.constant 0 : i32
    %dma_wait3A_5 = arith.constant 0 : i32
    %dma_wait3A_6 = tpu.memref_slice %arg2[%dma_wait3A, %dma_wait3A_5] : memref<100000x1024xf32, #tpu.memory_space<hbm>> -> memref<100000x1024xf32, #tpu.memory_space<hbm>>
    tpu.wait_indirect_dma semaphore(%arg7 : memref<!tpu.dma_semaphore, #tpu.memory_space<semaphore_mem>>) src(%dma_wait3A_6 : memref<100000x1024xf32, #tpu.memory_space<hbm>>) dst(%arg6 : memref<32x1024xf32, #tpu.memory_space<vmem>>)
    "tpu.region"() ({
      %run_scoped3A = tpu.sem_alloc : memref<!tpu.dma_semaphore, #tpu.memory_space<semaphore_mem>>
      %dma_start3A_7 = arith.constant 0 : i32
      %dma_start3A_8 = tpu.memref_slice %arg4[%mul3A_2, %dma_start3A_7] : memref<1024x1024xf32, #tpu.memory_space<hbm>> -> memref<32x1024xf32, #tpu.memory_space<hbm>>
      %dma_start3A_9 = arith.constant 0 : i32
      %dma_start3A_10 = tpu.memref_slice %arg4[%mul3A_2, %dma_start3A_9] : memref<1024x1024xf32, #tpu.memory_space<hbm>> -> memref<32x1024xf32, #tpu.memory_space<hbm>>
      tpu.enqueue_dma source(%arg6 : memref<32x1024xf32, #tpu.memory_space<vmem>>) target(%dma_start3A_10 : memref<32x1024xf32, #tpu.memory_space<hbm>>) target_semaphore(%run_scoped3A : memref<!tpu.dma_semaphore, #tpu.memory_space<semaphore_mem>>)
      %dma_wait3A_11 = arith.constant 0 : i32
      %dma_wait3A_12 = tpu.memref_slice %arg4[%mul3A_2, %dma_wait3A_11] : memref<1024x1024xf32, #tpu.memory_space<hbm>> -> memref<32x1024xf32, #tpu.memory_space<hbm>>
      %dma_wait3A_13 = arith.constant 0 : i32
      %dma_wait3A_14 = tpu.memref_slice %arg4[%mul3A_2, %dma_wait3A_13] : memref<1024x1024xf32, #tpu.memory_space<hbm>> -> memref<32x1024xf32, #tpu.memory_space<hbm>>
      tpu.wait_dma2 semaphore(%run_scoped3A : memref<!tpu.dma_semaphore, #tpu.memory_space<semaphore_mem>>) src(%arg6 : memref<32x1024xf32, #tpu.memory_space<vmem>>) dst(%dma_wait3A_14 : memref<32x1024xf32, #tpu.memory_space<hbm>>)
      tpu.yield
    }) : () -> ()
    return
  }
}

module attributes {stable_mosaic.version = 14 : i64} {
  func.func @_tc_body(%arg0: i32, %arg1: memref<512x1024xf32, #tpu.memory_space<vmem>>, %arg2: memref<1024x1024xf32, #tpu.memory_space<vmem>>, %arg3: memref<1x1024xi32, #tpu.memory_space<vmem>>, %arg4: memref<1x1xf32, #tpu.memory_space<vmem>>, %arg5: memref<512x1024xf32, #tpu.memory_space<vmem>>, %arg6: memref<1x1024xf32, #tpu.memory_space<vmem>>, %arg7: memref<1x1024xf32, #tpu.memory_space<vmem>>, %arg8: memref<1x1xf32, #tpu.memory_space<smem>>) attributes {dimension_semantics = [#tpu.dimension_semantics<arbitrary>], iteration_bounds = array<i64: 196>, scalar_prefetch = 0 : i64, scratch_operands = 3 : i64, tpu.core_type = #tpu.core_type<tc>, window_params = [{transform_indices = @transform_0, window_bounds = array<i64: 512, 1024>}, {pipeline_mode = #tpu.pipeline_mode<synchronous>, transform_indices = @transform_1, window_bounds = array<i64: 1024, 1024>}, {pipeline_mode = #tpu.pipeline_mode<synchronous>, transform_indices = @transform_2, window_bounds = array<i64: 1, 1024>}, {pipeline_mode = #tpu.pipeline_mode<synchronous>, transform_indices = @transform_3, window_bounds = array<i64: 1, 1>}, {transform_indices = @transform_4, window_bounds = array<i64: 512, 1024>}]} {
    %eq3A = arith.constant 0 : i32
    %eq3A_0 = arith.cmpi eq, %arg0, %eq3A : i32
    %convert_element_type3A = arith.extui %eq3A_0 : i1 to i32
    %cond3A = arith.constant 0 : i32
    %cond3A_1 = arith.cmpi ne, %convert_element_type3A, %cond3A : i32
    scf.if %cond3A_1 {
      %get3A_34 = arith.constant 0 : index
      %get3A_35 = arith.constant 0 : index
      %get3A_36 = vector.load %arg2[%get3A_34, %get3A_35] : memref<1024x1024xf32, #tpu.memory_space<vmem>>, vector<1024x1024xf32>
      %jit3A_37 = arith.constant -1.000000e+00 : f32
      %jit3A_38 = arith.constant 1.000000e+00 : f32
      %max3A_39 = vector.broadcast %jit3A_37 : f32 to vector<1024x1024xf32>
      %max3A_40 = arith.maximumf %max3A_39, %get3A_36 : vector<1024x1024xf32>
      %min3A_41 = vector.broadcast %jit3A_38 : f32 to vector<1024x1024xf32>
      %min3A_42 = arith.minimumf %min3A_41, %max3A_40 : vector<1024x1024xf32>
      %iota3A_43 = tpu.iota {dimensions = array<i32: 0>} : vector<1024x1024xi32>
      %iota3A_44 = tpu.iota {dimensions = array<i32: 1>} : vector<1024x1024xi32>
      %eq3A_45 = arith.cmpi eq, %iota3A_43, %iota3A_44 : vector<1024x1024xi32>
      %jit3A_46 = arith.constant 0.000000e+00 : f32
      %broadcast_in_dim3A_47 = vector.broadcast %jit3A_46 : f32 to vector<1024x1024xf32>
      %select_n3A_48 = arith.select %eq3A_45, %min3A_42, %broadcast_in_dim3A_47 : vector<1024x1024xi1>, vector<1024x1024xf32>
      %reduce_sum3A = arith.constant dense<0.000000e+00> : vector<1024xf32>
      %reduce_sum3A_49 = vector.multi_reduction <add>, %select_n3A_48, %reduce_sum3A [0] : vector<1024x1024xf32> to vector<1024xf32>
      %broadcast_in_dim3A_50 = vector.shape_cast %reduce_sum3A_49 : vector<1024xf32> to vector<1x1024xf32>
      %reduce_sum3A_51 = vector.shape_cast %broadcast_in_dim3A_50 : vector<1x1024xf32> to vector<1x1x1024xf32>
      %reduce_sum3A_52 = arith.constant dense<0.000000e+00> : vector<1xf32>
      %reduce_sum3A_53 = vector.multi_reduction <add>, %reduce_sum3A_51, %reduce_sum3A_52 [1, 2] : vector<1x1x1024xf32> to vector<1xf32>
      %reduce_sum3A_54 = vector.shape_cast %reduce_sum3A_53 : vector<1xf32> to vector<1x1x1xf32>
      %reduce_sum3A_55 = vector.extract %reduce_sum3A_54[0, 0, 0] : f32 from vector<1x1x1xf32>
      %mul3A_56 = arith.constant 9.76562478E-6 : f32
      %mul3A_57 = arith.mulf %reduce_sum3A_55, %mul3A_56 : f32
      %get3A_58 = arith.constant 0 : index
      %get3A_59 = arith.constant 0 : index
      %get3A_60 = vector.load %arg4[%get3A_58, %get3A_59] : memref<1x1xf32, #tpu.memory_space<vmem>>, vector<1x1xf32>
      %get3A_61 = vector.extract %get3A_60[0, 0] : f32 from vector<1x1xf32>
      %mul3A_62 = arith.constant 9.900000e-01 : f32
      %mul3A_63 = arith.mulf %mul3A_62, %get3A_61 : f32
      %add3A_64 = arith.addf %mul3A_57, %mul3A_63 : f32
      %swap3A_65 = arith.constant 0 : index
      %swap3A_66 = arith.constant 0 : index
      %swap3A_67 = memref.load %arg8[%swap3A_65, %swap3A_66] : memref<1x1xf32, #tpu.memory_space<smem>>
      memref.store %add3A_64, %arg8[%swap3A_65, %swap3A_66] : memref<1x1xf32, #tpu.memory_space<smem>>
      %mul3A_68 = arith.mulf %broadcast_in_dim3A_50, %broadcast_in_dim3A_50 : vector<1x1024xf32>
      %sub3A = arith.constant 1.000000e+00 : f32
      %sub3A_69 = vector.broadcast %sub3A : f32 to vector<1x1024xf32>
      %sub3A_70 = arith.subf %sub3A_69, %mul3A_68 : vector<1x1024xf32>
      %max3A_71 = arith.constant 0.000000e+00 : f32
      %max3A_72 = vector.broadcast %max3A_71 : f32 to vector<1x1024xf32>
      %max3A_73 = arith.maximumf %sub3A_70, %max3A_72 : vector<1x1024xf32>
      %sqrt3A = math.sqrt %max3A_73 : vector<1x1024xf32>
      %mul3A_74 = arith.constant 0.87758255 : f32
      %mul3A_75 = vector.broadcast %mul3A_74 : f32 to vector<1x1024xf32>
      %mul3A_76 = arith.mulf %broadcast_in_dim3A_50, %mul3A_75 : vector<1x1024xf32>
      %mul3A_77 = arith.constant 0.47942555 : f32
      %mul3A_78 = vector.broadcast %mul3A_77 : f32 to vector<1x1024xf32>
      %mul3A_79 = arith.mulf %sqrt3A, %mul3A_78 : vector<1x1024xf32>
      %sub3A_80 = arith.subf %mul3A_76, %mul3A_79 : vector<1x1024xf32>
      %swap3A_81 = arith.constant 0 : index
      %swap3A_82 = arith.constant 0 : index
      %swap3A_83 = vector.load %arg6[%swap3A_81, %swap3A_82] : memref<1x1024xf32, #tpu.memory_space<vmem>>, vector<1x1024xf32>
      tpu.vector_store %arg6[%swap3A_81, %swap3A_82], %sub3A_80 {strides = array<i32>} : memref<1x1024xf32, #tpu.memory_space<vmem>>, vector<1x1024xf32>,
      %gt3A_84 = arith.constant -0.87758255 : f32
      %gt3A_85 = vector.broadcast %gt3A_84 : f32 to vector<1x1024xf32>
      %gt3A_86 = arith.cmpf ogt, %broadcast_in_dim3A_50, %gt3A_85 : vector<1x1024xf32>
      %sub3A_87 = arith.constant 0.239712775 : f32
      %sub3A_88 = vector.broadcast %sub3A_87 : f32 to vector<1x1024xf32>
      %sub3A_89 = arith.subf %broadcast_in_dim3A_50, %sub3A_88 : vector<1x1024xf32>
      %select_n3A_90 = arith.select %gt3A_86, %sub3A_80, %sub3A_89 : vector<1x1024xi1>, vector<1x1024xf32>
      %mul3A_91 = arith.constant 6.400000e+01 : f32
      %mul3A_92 = vector.broadcast %mul3A_91 : f32 to vector<1x1024xf32>
      %mul3A_93 = arith.mulf %select_n3A_90, %mul3A_92 : vector<1x1024xf32>
      %swap3A_94 = arith.constant 0 : index
      %swap3A_95 = arith.constant 0 : index
      %swap3A_96 = vector.load %arg7[%swap3A_94, %swap3A_95] : memref<1x1024xf32, #tpu.memory_space<vmem>>, vector<1x1024xf32>
      tpu.vector_store %arg7[%swap3A_94, %swap3A_95], %mul3A_93 {strides = array<i32>} : memref<1x1024xf32, #tpu.memory_space<vmem>>, vector<1x1024xf32>,
    } else {
    }
    %get3A = arith.constant 0 : index
    %get3A_2 = arith.constant 0 : index
    %get3A_3 = memref.load %arg8[%get3A, %get3A_2] : memref<1x1xf32, #tpu.memory_space<smem>>
    %get3A_4 = arith.constant 0 : index
    %get3A_5 = arith.constant 0 : index
    %get3A_6 = vector.load %arg6[%get3A_4, %get3A_5] : memref<1x1024xf32, #tpu.memory_space<vmem>>, vector<1x1024xf32>
    %get3A_7 = arith.constant 0 : index
    %get3A_8 = arith.constant 0 : index
    %get3A_9 = vector.load %arg7[%get3A_7, %get3A_8] : memref<1x1024xf32, #tpu.memory_space<vmem>>, vector<1x1024xf32>
    %get3A_10 = arith.constant 0 : index
    %get3A_11 = arith.constant 0 : index
    %get3A_12 = vector.load %arg1[%get3A_10, %get3A_11] : memref<512x1024xf32, #tpu.memory_space<vmem>>, vector<512x1024xf32>
    %jit3A = arith.constant -1.000000e+00 : f32
    %jit3A_13 = arith.constant 1.000000e+00 : f32
    %max3A = vector.broadcast %jit3A : f32 to vector<512x1024xf32>
    %max3A_14 = arith.maximumf %max3A, %get3A_12 : vector<512x1024xf32>
    %min3A = vector.broadcast %jit3A_13 : f32 to vector<512x1024xf32>
    %min3A_15 = arith.minimumf %min3A, %max3A_14 : vector<512x1024xf32>
    %mul3A = arith.constant 6.400000e+01 : f32
    %mul3A_16 = vector.broadcast %mul3A : f32 to vector<512x1024xf32>
    %mul3A_17 = arith.mulf %min3A_15, %mul3A_16 : vector<512x1024xf32>
    %gt3A = vector.broadcast %get3A_6 : vector<1x1024xf32> to vector<512x1024xf32>
    %gt3A_18 = arith.cmpf ogt, %min3A_15, %gt3A : vector<512x1024xf32>
    %add3A = vector.broadcast %get3A_3 : f32 to vector<512x1024xf32>
    %add3A_19 = arith.addf %add3A, %min3A_15 : vector<512x1024xf32>
    %mul3A_20 = arith.mulf %mul3A_17, %add3A_19 : vector<512x1024xf32>
    %select_n3A = arith.select %gt3A_18, %mul3A_20, %mul3A_17 : vector<512x1024xi1>, vector<512x1024xf32>
    %iota3A = tpu.iota {dimensions = array<i32: 0>} : vector<512x1024xi32>
    %mul3A_21 = arith.constant 512 : i32
    %mul3A_22 = arith.muli %arg0, %mul3A_21 : i32
    %add3A_23 = vector.broadcast %mul3A_22 : i32 to vector<512x1024xi32>
    %add3A_24 = arith.addi %iota3A, %add3A_23 : vector<512x1024xi32>
    %get3A_25 = arith.constant 0 : index
    %get3A_26 = arith.constant 0 : index
    %get3A_27 = vector.load %arg3[%get3A_25, %get3A_26] : memref<1x1024xi32, #tpu.memory_space<vmem>>, vector<1x1024xi32>
    %eq3A_28 = vector.broadcast %get3A_27 : vector<1x1024xi32> to vector<512x1024xi32>
    %eq3A_29 = arith.cmpi eq, %add3A_24, %eq3A_28 : vector<512x1024xi32>
    %broadcast_in_dim3A = vector.shape_cast %get3A_9 : vector<1x1024xf32> to vector<1x1024xf32>
    %broadcast_in_dim3A_30 = vector.broadcast %broadcast_in_dim3A : vector<1x1024xf32> to vector<512x1024xf32>
    %select_n3A_31 = arith.select %eq3A_29, %broadcast_in_dim3A_30, %select_n3A : vector<512x1024xi1>, vector<512x1024xf32>
    %swap3A = arith.constant 0 : index
    %swap3A_32 = arith.constant 0 : index
    %swap3A_33 = vector.load %arg5[%swap3A, %swap3A_32] : memref<512x1024xf32, #tpu.memory_space<vmem>>, vector<512x1024xf32>
    tpu.vector_store %arg5[%swap3A, %swap3A_32], %select_n3A_31 {strides = array<i32>} : memref<512x1024xf32, #tpu.memory_space<vmem>>, vector<512x1024xf32>,
    return
  }
  func.func @transform_0(%arg0: i32) -> (i32, i32) {
    %c0_i32 = arith.constant 0 : i32
    %c0_i32_0 = arith.constant 0 : i32
    return %arg0, %c0_i32 : i32, i32
  }
  func.func @transform_1(%arg0: i32) -> (i32, i32) {
    %c0_i32 = arith.constant 0 : i32
    %c0_i32_0 = arith.constant 0 : i32
    %c0_i32_1 = arith.constant 0 : i32
    return %c0_i32, %c0_i32_0 : i32, i32
  }
  func.func @transform_2(%arg0: i32) -> (i32, i32) {
    %c0_i32 = arith.constant 0 : i32
    %c0_i32_0 = arith.constant 0 : i32
    %c0_i32_1 = arith.constant 0 : i32
    return %c0_i32, %c0_i32_0 : i32, i32
  }
  func.func @transform_3(%arg0: i32) -> (i32, i32) {
    %c0_i32 = arith.constant 0 : i32
    %c0_i32_0 = arith.constant 0 : i32
    %c0_i32_1 = arith.constant 0 : i32
    return %c0_i32, %c0_i32_0 : i32, i32
  }
  func.func @transform_4(%arg0: i32) -> (i32, i32) {
    %c0_i32 = arith.constant 0 : i32
    %c0_i32_0 = arith.constant 0 : i32
    return %arg0, %c0_i32 : i32, i32
  }
}

</mosaic_0001>

<sc_bundles>
// kernel: kernel.4.cloned.1.call-start
scs
__scs_entry_jumppad:
0x0: {  	(pc) =	sbr.rel $0x88, $3  }
0x1: {  	(tag) =	ssettag $0x0;
	lr =	simm.s32 $0x1  }
0x2: {  	[smem:$0x3F9E] =	sst lr;
	_ =	strace $0xD0000000  }
0x3: {  	_ = 	snop  }
0x4: {  	_ = 	snop  }
0x5: {  	_ = 	snop  }
0x6: {  	_ = 	snop  }
0x7: {  	_ = 	snop  }
__scs_overlays_trampoline_lowered:
0x8: {  	[smem:$0x3FAD] =	sst s0  }
0x9: {  	[smem:$0x3FAE] =	sst s1  }
0xa: {  	[smem:$0x3FAF] =	sst s2  }
0xb: {  	[smem:$0x3FB0] =	sst s3  }
0xc: {  	[smem:$0x3FB1] =	sst s4  }
0xd: {  	[smem:$0x3FB2] =	sst s5  }
0xe: {  	[smem:$0x3FB3] =	sst s6  }
0xf: {  	[smem:$0x3FB4] =	sst s7  }
0x10: {  	[smem:$0x3FB5] =	sst s8  }
0x11: {  	[smem:$0x3FB6] =	sst s9;
	s0 =	simm.s32 @!p0 $0x0  }
0x12: {  	s1 =	sld [smem:$0x3F9C];
	s0 =	simm.s32 @p0 $0x1  }
0x13: {  	[smem:$0x3FB7] =	sst s0;
	s0 =	simm.s32 @!p1 $0x0  }
0x14: {  	s2 =	sld [smem:$0x3F9B];
	s0 =	simm.s32 @p1 $0x1  }
0x15: {  	[smem:$0x3FB8] =	sst s0;
	s0 =	simm.s32 @!p2 $0x0  }
0x16: {  	s3 =	sld [smem:$0x3FDB];
	s0 =	simm.s32 @p2 $0x1  }
0x17: {  	s4 =	simm.s32 $0x1BF5;
	[smem:$0x3FBA] =	sst s0  }
0x18: {  	s0 =	sld [smem:$0x3F9D];
	_ =	swait.ge [sflag:s4], $0x0  }
0x19: {  	s7 =	sld [smem:$0x3F9E]  }
0x1a: {  	s8 =	sadd.s32 $0xFFFFE003, lr  }
0x1b: {  	s9 =	sadd.s32 $0xFFFFFEF7, lr;
	s5 =	simm.s32 $0xFFFFFFFF;
	p2 =	slt.u32 s8, $0xFFFFF086  }
0x1c: {  	p1 =	slt.u32 s9, $0xF7A;
	s5 =	simm.s32 @!p2 $0x0  }
0x1d: {  	s5 =	simm.s32 @p1 $0x1;
	p0 =	seq.s32 s7, s2  }
0x1e: {  	s7 =	smul.u32 @!p0 $0xF7A, s2;
	p2 =	seq.s32 @!p0 s5, $0x0  }
0x1f: {  	s9 =	smul.u32 $0xF7A, s1;
	s8 =	simm.s32 @!p0 $0x1BF5;
	p2 =	por !p2, p0  }
0x20: {  	[sflag:s8] =	ssyncset.s32 @!p0 $0xFFFFF086;
	s6 =	sadd.s32 @!p0 s3, s7;
	s7 =	simm.s32 @!p0 $0x108  }
0x21: {  	s3 =	sadd.s32 s3, s9;
	s6 =	sadd.s32 @!p0 $0x88, s6;
	s7 =	simm.s32 @p2 $0x1082  }
0x22: {  	[simem:s7], [sflag:s8] =	dma.local @!p0 [hbm:s6], $0xF7A  }
0x23: {  	s9 =	sor.u32 $0xD0000000, s2;
	s6 =	simm.s32 $0x108;
	_ =	swait.ge @!p0 [sflag:s8], $0x0  }
0x24: {  	s3 =	sadd.s32 $0x88, s3;
	s6 =	simm.s32 @!p1 $0x1082;
	[sflag:s4] =	ssyncset.s32 $0xFFFFF086  }
0x25: {  	[simem:s6], [sflag:s4] =	dma.local [hbm:s3], $0xF7A  }
0x26: {  	[smem:$0x3F9E] =	sst s1;
	(tag) =	ssettag s2;
	_ =	strace s9  }
0x27: {  	s1 =	sld [smem:$0x3FAE]  }
0x28: {  	s2 =	sld [smem:$0x3FAF]  }
0x29: {  	s4 =	sld [smem:$0x3FB1]  }
0x2a: {  	p0 =	seq.s32 s5, $0x0;
	s5 =	sld [smem:$0x3FB2]  }
0x2b: {  	s6 =	sld [smem:$0x3FB3]  }
0x2c: {  	s7 =	sld [smem:$0x3FB4]  }
0x2d: {  	s3 =	simm.s32 $0x108;
	s8 =	sld [smem:$0x3FB5]  }
0x2e: {  	s3 =	simm.s32 @!p0 $0x1082;
	s9 =	sld [smem:$0x3FB6]  }
0x2f: {  	lr =	sadd.s32 s0, s3;
	s0 =	sld [smem:$0x3FAD]  }
0x30: {  	s3 =	sld [smem:$0x3FB0]  }
0x31: {  	[smem:$0x3FB9] =	sst s10  }
0x32: {  	s10 =	sld [smem:$0x3FB7];
	_ =	sdelay $0x3  }
0x33: {  	p0 =	seq.s32 s10, $0x1;
	s10 =	sld [smem:$0x3FB9];
	_ =	sdelay $0x3  }
0x34: {  	[smem:$0x3FB9] =	sst s10  }
0x35: {  	s10 =	sld [smem:$0x3FB8];
	_ =	sdelay $0x3  }
0x36: {  	p1 =	seq.s32 s10, $0x1;
	s10 =	sld [smem:$0x3FB9];
	_ =	sdelay $0x3  }
0x37: {  	[smem:$0x3FB9] =	sst s10  }
0x38: {  	s10 =	sld [smem:$0x3FBA]  }
0x39: {  	_ = 	snop;
	(pc) =	sbr.ind lr, $3  }
0x3a: {  	_ = 	snop  }
0x3b: {  	_ = 	snop  }
0x3c: {  	p2 =	seq.s32 s10, $0x1;
	s10 =	sld [smem:$0x3FB9]  }
0x3d: {  	_ =	shalt  }
0x3e: {  	_ =	shalt  }
0x3f: {  	_ =	shalt  }
0x40: {  	_ =	shalt  }
0x41: {  	_ =	shalt  }
0x42: {  	_ =	shalt  }
0x43: {  	_ =	shalt  }
0x44: {  	_ =	shalt  }
0x45: {  	_ =	shalt  }
0x46: {  	_ =	shalt  }
0x47: {  	_ =	shalt  }
0x48: {  	_ =	shalt  }
0x49: {  	_ =	shalt  }
0x4a: {  	_ =	shalt  }
0x4b: {  	_ =	shalt  }
0x4c: {  	_ =	shalt  }
0x4d: {  	_ =	shalt  }
0x4e: {  	_ =	shalt  }
0x4f: {  	_ =	shalt  }
0x50: {  	_ =	shalt  }
0x51: {  	_ =	shalt  }
0x52: {  	_ =	shalt  }
0x53: {  	_ =	shalt  }
0x54: {  	_ =	shalt  }
0x55: {  	_ =	shalt  }
0x56: {  	_ =	shalt  }
0x57: {  	_ =	shalt  }
0x58: {  	_ =	shalt  }
0x59: {  	_ =	shalt  }
0x5a: {  	_ =	shalt  }
0x5b: {  	_ =	shalt  }
0x5c: {  	_ =	shalt  }
0x5d: {  	_ =	shalt  }
0x5e: {  	_ =	shalt  }
0x5f: {  	_ =	shalt  }
0x60: {  	_ =	shalt  }
0x61: {  	_ =	shalt  }
0x62: {  	_ =	shalt  }
0x63: {  	_ =	shalt  }
0x64: {  	_ =	shalt  }
0x65: {  	_ =	shalt  }
0x66: {  	_ =	shalt  }
0x67: {  	_ =	shalt  }
0x68: {  	_ =	shalt  }
0x69: {  	_ =	shalt  }
0x6a: {  	_ =	shalt  }
0x6b: {  	_ =	shalt  }
0x6c: {  	_ =	shalt  }
0x6d: {  	_ =	shalt  }
0x6e: {  	_ =	shalt  }
0x6f: {  	_ =	shalt  }
0x70: {  	_ =	shalt  }
0x71: {  	_ =	shalt  }
0x72: {  	_ =	shalt  }
0x73: {  	_ =	shalt  }
0x74: {  	_ =	shalt  }
0x75: {  	_ =	shalt  }
0x76: {  	_ =	shalt  }
0x77: {  	_ =	shalt  }
0x78: {  	_ =	shalt  }
0x79: {  	_ =	shalt  }
0x7a: {  	_ =	shalt  }
0x7b: {  	_ =	shalt  }
0x7c: {  	_ =	shalt  }
0x7d: {  	_ =	shalt  }
0x7e: {  	_ =	shalt  }
0x7f: {  	_ =	shalt  }
0x80: {  	_ =	shalt  }
0x81: {  	_ =	shalt  }
0x82: {  	_ =	shalt  }
0x83: {  	_ =	shalt  }
0x84: {  	_ =	shalt  }
0x85: {  	_ =	shalt  }
0x86: {  	_ =	shalt  }
0x87: {  	_ =	shalt  }
.Lfunc_end0:
.L_simem_size_0:
called_computation_lowered:
.L_overlay_start_0:
0x88: {  	s2 =	sld [smem:$0x3FD9]  }
0x89: {  	s3 =	sld [smem:$0x3FFE];
	_ =	sdelay $0x1  }
0x8a: {  	s1 =	srdreg.scid  }
0x8b: {  	s0 =	sand.u32 $0x1, s1  }
0x8c: {  	s18 =	sshll.u32 s0, $0xA;
	s2 =	sadd.s32 s3, s2  }
0x8d: {  	s2 =	sadd.s32 s2, s18  }
0x8e: {  	[smem:$0x3FC5] =	sst s2  }
0x8f: {  	_ = 	snop  }
0x90: {  	s2 =	sld [smem:$0x3FC9]  }
0x91: {  	s19 =	sld [smem:$0x3FC8]  }
0x92: {  	s4 =	sld [smem:$0x3FD0];
	(tm) =	ssettm $0x1  }
0x93: {  	s5 =	sld [smem:$0x3FFB];
	_ =	sdelay $0x3  }
0x94: {  	_ =	strace s5  }
0x95: {  	s5 =	sld [smem:$0x3FFC];
	_ =	sdelay $0x3  }
0x96: {  	_ =	strace s5  }
0x97: {  	s5 =	sld [smem:$0x3FFD];
	_ =	sdelay $0x3  }
0x98: {  	_ =	strace s5  }
0x99: {  	_ =	strace $0x8FFFFFFF  }
0x9a: {  	s20 =	sld [smem:$0x3FDB];
	_ =	sdelay $0x1  }
0x9b: {  	s6 =	simm.s32 $_scs_section_size  }
0x9c: {  	s7 =	simm.s32 $_size__tile_overlayer_lowered;
	s8 =	simm.s32 $_tile_overlayer_lowered  }
0x9d: {  	s23 =	simm.s32 $0x1BFF;
	s22 =	sshll.u32 s8, $0x1;
	s5 =	sadd.s32 s6, s20  }
0x9e: {  	s9 =	simm.s32 $0x0;
	s21 =	sshll.u32 s7, $0x1;
	s7 =	sadd.s32 s22, s5  }
0x9f: {  	[timem:s9], [sflag:s23] =	dma.local [hbm:s7], s21  }
0xa0: {  	_ =	swait.ge [sflag:s23], s21  }
0xa1: {  	s6 =	ssub.s32 $0x0, s21;
	[sflag:s23] =	ssyncset.done $0x0  }
0xa2: {  	[sflag:s23] =	ssyncadd.s32 s6;
	_ =	sdelay $0x1  }
0xa3: {  	s24 =	simm.s32 $0x1B8B  }
0xa4: {  	_ =	swait.ge [sflag:s24], $0x1  }
0xa5: {  	[sflag:s24] =	ssyncset.done $0x0  }
0xa6: {  	s25 =	simm.s32 $0x1B8E;
	[sflag:s24] =	ssyncadd.s32 $0xFFFFFFFF  }
0xa7: {  	s26 =	simm.s32 $execute0_lowered;
	[smem:$0x3FD2] =	sst s25  }
0xa8: {  	s6 =	sshll.u32 s26, $0x1;
	_ =	strace $0x80000046;
	[dreg:$0x1] =	wrdreg $0xFFFFFFFF  }
0xa9: {  	s28 =	simm.s32 $_size_execute0_lowered;
	s5 =	sadd.s32 s5, s6;
	[dreg:$0x0] =	wrdreg $0x0  }
0xaa: {  	s6 =	sshll.u32 s28, $0x1;
	[dreg:$0x2] =	wrdreg s5  }
0xab: {  	[dreg:$0x3] =	wrdreg s6  }
0xac: {  	[dreg:$0x4] =	wrdreg $0xC0  }
0xad: {  	_ =	task [dreg:s9], $0x5FFFF  }
0xae: {  	[dreg:$0x1] =	wrdreg $0xFFFFFFFF  }
0xaf: {  	[dreg:$0x0] =	wrdreg $0x60  }
0xb0: {  	[dreg:$0x2] =	wrdreg s2  }
0xb1: {  	[dreg:$0x3] =	wrdreg s19  }
0xb2: {  	[dreg:$0x4] =	wrdreg s4  }
0xb3: {  	[dreg:$0x5] =	wrdreg $0x9  }
0xb4: {  	_ =	task.clear_ibuf [dreg:s9], $0x6FFFF;
	_ =	strace $0x90000046  }
0xb5: {  	s29 =	simm.s32 $0x9;
	_ =	strace $0x80000048  }
0xb6: {  	_ =	swait.ge [sflag:s29], $0x1  }
0xb7: {  	[sflag:s29] =	ssyncadd.s32 $0xFFFFFFFF  }
0xb8: {  	_ =	strace $0x90000048  }
0xb9: {  	_ =	sfence  }
0xba: {  	s30 =	sld [smem:$0x0];
	_ =	sdelay $0x2  }
0xbb: {  	s31 =	sshll.u32 s1, $0xD;
	s1 =	sshrl.u32 s1, $0x2  }
0xbc: {  	s3 =	sand.u32 $0x4000, s31;
	s1 =	sadd.s32 s1, s30  }
0xbd: {  	s0 =	sor.u32 s3, s0;
	s1 =	sshll.u32 s1, $0x11  }
0xbe: {  	s0 =	sor.u32 s1, s0  }
0xbf: {  	s0 =	sadd.s32 $0x8F2B, s0  }
0xc0: {  	[sflag:s0] =	ssyncadd.remote.s32 $0x1  }
0xc1: {  	_ =	sfence.sel $0xFFFF  }
0xc2: {  	[dreg:$0x0] =	wrdreg $0xFFFFFFFF;
	(pc) =	sbr.abs _section_cstart, $3  }
0xc3: {  	[dreg:$0x1] =	wrdreg $0xFFFFFFFF  }
0xc4: {  	_ =	task.clear_ibuf [dreg:s9], $0x2FFFF;
	_ =	strace $0x9FFFFFFF  }
0xc5: {  	(tm) =	ssettm $0x7FFFFFFF  }
tec
execute0_lowered:
.L_overlay_start_1:
0x0: {  	(tag) =	ssettag $0x1  }
0x1: {  	s2 =	rddreg [dreg:$0x0]  }
0x2: {  	s4 =	rddreg [dreg:$0x1];
	s0 =	srdreg.scid  }
0x3: {  	s8 =	rddreg [dreg:$0x2];
	s1 =	stileid.u32;
	s3 =	simm.s32 $0x0  }
0x4: {  	s11 =	simm.s32 $0x80;
	s12 =	simm.s32 $0x880;
	s13 =	simm.s32 $0x1080  }
0x5: {  	s14 =	simm.s32 $0x1880;
	s15 =	simm.s32 $0x2080;
	s16 =	simm.s32 $0x2880  }
0x6: {  	s17 =	simm.s32 $0x3080;
	s18 =	simm.s32 $0x3880;
	s19 =	simm.s32 $0x4080  }
0x7: {  	s20 =	simm.s32 $0x4880;
	s21 =	simm.s32 $0x5080;
	s22 =	simm.s32 $0x5880  }
0x8: {  	s23 =	simm.s32 $0x6080;
	s24 =	simm.s32 $0x6880;
	s25 =	simm.s32 $0x7080  }
0x9: {  	s26 =	simm.s32 $0x7880;
	s5 =	sand.u32 $0x1, s0;
	s0 =	rddreg [dreg:$0x3]  }
0xa: {  	s28 =	simm.s32 $0x1;
	s6 =	sshll.u32 s1, $0x6;
	[smem:$0x7FF] =	sst s3  }
0xb: {  	s7 =	sshll.u32 s5, $0x5;
	s5 =	ssub.s32 $0x2, s5;
	_ =	strace $0x80000047  }
0xc: {  	s7 =	sor.u32 s7, s6;
	s30 =	sshrl.u32 s5, $0x1;
	s6 =	sadd.s32 $0x200, s2  }
0xd: {  	v2 =	vlaneseq.u32;
	s9 =	sshrl.u32 s7, $0x3;
	s10 =	ssub.s32 s5, s30;
	s5 =	sadd.s32 $0x100, s2  }
0xe: {  	vm0 =	vmmov $0xffff;
	v1 =	vshrl.u32 v2, $0x3;
	s31 =	sshll.u32 s7, $0x7;
	s7 =	sadd.s32 $0x300, s2;
	s4 =	sadd.s32 s4, s9  }
0xf: {  	v0 =	vand.u32 $0x7, v2;
	v2 =	vor.u32 $0x8, v2;
	v1 =	vmul.u32 $0x8, v1;
	s8 =	sadd.s32 s8, s31;
	s9 =	smax.u32 s10, $0x1;
	s10 =	simm.s32 $0x2  }
.LBB2_1:
0x10: {  	[tilespmem:s3], [sflag:$0x2] =	stream.linear.gather [hbm4b:s4+s3], $0x20, $0x38;
	[tilespmem:$0x8080] =	vst v63  }
0x11: {  	_ =	swait.ge [sflag:s10], $0x20  }
0x12: {  	[sflag:s10] =	ssyncset.done $0x0  }
0x13: {  	[sflag:s10] =	ssyncadd.s32 $0xFFFFFFE0  }
0x14: {  	v3 =	vld [tilespmem:$0x0];
	_ =	sdelay $0x4  }
0x15: {  	v4 =	vshll.u32 v3, $0x3  }
0x16: {  	v3 =	vand.u32 $0x7, v3;
	v4 =	vand.u32 $0xFFFFFFC0, v4  }
0x17: {  	v3 =	vor.u32 v3, v4  }
0x18: {  	v4 =	vperm.xlane v3, v0;
	_ =	sdelay $0x1  }
0x19: {  	v4 =	vadd.s32 v1, v4;
	_ =	sdelay $0x4  }
0x1a: {  	[tilespmem:s11], [sflag:$0x1] =	stream.indirect_vreg.gather [hbm4b:s2+s3], $0x80, v4, vm0, $0xb8;
	[tilespmem:$0x8080] =	vst v63  }
0x1b: {  	v3 =	vperm.xlane v3, v2  }
0x1c: {  	[tilespmem:s12], [sflag:$0x1] =	stream.indirect_vreg.gather [hbm4b:s5+s3], $0x80, v4, vm0, $0xb8;
	[tilespmem:$0x8080] =	vst v63  }
0x1d: {  	v3 =	vadd.s32 v1, v3  }
0x1e: {  	[tilespmem:s13], [sflag:$0x1] =	stream.indirect_vreg.gather [hbm4b:s6+s3], $0x80, v4, vm0, $0xb8;
	[tilespmem:$0x8080] =	vst v63  }
0x1f: {  	_ = 	snop  }
0x20: {  	[tilespmem:s14], [sflag:$0x1] =	stream.indirect_vreg.gather [hbm4b:s7+s3], $0x80, v4, vm0, $0xb8;
	[tilespmem:$0x8080] =	vst v63  }
0x21: {  	_ = 	snop  }
0x22: {  	[tilespmem:s15], [sflag:$0x1] =	stream.indirect_vreg.gather [hbm4b:s2+s3], $0x80, v3, vm0, $0xb8;
	[tilespmem:$0x8080] =	vst v63  }
0x23: {  	_ = 	snop  }
0x24: {  	[tilespmem:s16], [sflag:$0x1] =	stream.indirect_vreg.gather [hbm4b:s5+s3], $0x80, v3, vm0, $0xb8;
	[tilespmem:$0x8080] =	vst v63  }
0x25: {  	_ = 	snop  }
0x26: {  	[tilespmem:s17], [sflag:$0x1] =	stream.indirect_vreg.gather [hbm4b:s6+s3], $0x80, v3, vm0, $0xb8;
	[tilespmem:$0x8080] =	vst v63  }
0x27: {  	_ = 	snop  }
0x28: {  	[tilespmem:s18], [sflag:$0x1] =	stream.indirect_vreg.gather [hbm4b:s7+s3], $0x80, v3, vm0, $0xb8;
	[tilespmem:$0x8080] =	vst v63  }
0x29: {  	v3 =	vld [tilespmem:$0x10];
	_ =	sdelay $0x4  }
0x2a: {  	v63 =	vshll.u32 v3, $0x3  }
0x2b: {  	v3 =	vand.u32 $0x7, v3;
	v4 =	vand.u32 $0xFFFFFFC0, v63  }
0x2c: {  	v3 =	vor.u32 v3, v4  }
0x2d: {  	v4 =	vperm.xlane v3, v0;
	_ =	sdelay $0x1  }
0x2e: {  	v4 =	vadd.s32 v1, v4;
	_ =	sdelay $0x4  }
0x2f: {  	[tilespmem:s19], [sflag:$0x1] =	stream.indirect_vreg.gather [hbm4b:s2+s3], $0x80, v4, vm0, $0xb8;
	[tilespmem:$0x8080] =	vst v63  }
0x30: {  	v3 =	vperm.xlane v3, v2  }
0x31: {  	[tilespmem:s20], [sflag:$0x1] =	stream.indirect_vreg.gather [hbm4b:s5+s3], $0x80, v4, vm0, $0xb8;
	[tilespmem:$0x8080] =	vst v63  }
0x32: {  	v3 =	vadd.s32 v1, v3  }
0x33: {  	[tilespmem:s21], [sflag:$0x1] =	stream.indirect_vreg.gather [hbm4b:s6+s3], $0x80, v4, vm0, $0xb8;
	[tilespmem:$0x8080] =	vst v63  }
0x34: {  	_ = 	snop  }
0x35: {  	[tilespmem:s22], [sflag:$0x1] =	stream.indirect_vreg.gather [hbm4b:s7+s3], $0x80, v4, vm0, $0xb8;
	[tilespmem:$0x8080] =	vst v63  }
0x36: {  	_ = 	snop  }
0x37: {  	[tilespmem:s23], [sflag:$0x1] =	stream.indirect_vreg.gather [hbm4b:s2+s3], $0x80, v3, vm0, $0xb8;
	[tilespmem:$0x8080] =	vst v63  }
0x38: {  	_ = 	snop  }
0x39: {  	[tilespmem:s24], [sflag:$0x1] =	stream.indirect_vreg.gather [hbm4b:s5+s3], $0x80, v3, vm0, $0xb8;
	[tilespmem:$0x8080] =	vst v63  }
0x3a: {  	_ = 	snop  }
0x3b: {  	[tilespmem:s25], [sflag:$0x1] =	stream.indirect_vreg.gather [hbm4b:s6+s3], $0x80, v3, vm0, $0xb8;
	[tilespmem:$0x8080] =	vst v63  }
0x3c: {  	_ = 	snop  }
0x3d: {  	[tilespmem:s26], [sflag:$0x1] =	stream.indirect_vreg.gather [hbm4b:s7+s3], $0x80, v3, vm0, $0xb8;
	[tilespmem:$0x8080] =	vst v63  }
0x3e: {  	_ =	swait.ge [sflag:s28], $0x8000  }
0x3f: {  	p0 =	sne.s32 s9, $0x1;
	[sflag:s28] =	ssyncset.done $0x0  }
.Ltmp0:
0x40: {  	[sflag:s28] =	ssyncadd.s32 $0xFFFF8000;
	(pc) =	sbr.rel @p0 .LBB2_1-.Ltmp0, $4  }
0x41: {  	[hbm4b:s8+s3] =	stream.linear.scatter [tilespmem:s11], [sflag:$0x2], $0x8000, $0x38;
	[tilespmem:$0x8080] =	vst v63  }
0x42: {  	_ =	swait.ge [sflag:s10], $0x8000  }
0x43: {  	[sflag:s10] =	ssyncset.done $0x0  }
0x44: {  	s9 =	sadd.s32 $0xFFFFFFFF, s9;
	[sflag:s10] =	ssyncadd.s32 $0xFFFF8000  }
0x45: {  	_ =	sfence.sel $0x180000  }
0x46: {  	[bflag:$0x0] =	sbarrier.arrive $0xFFFF  }
0x47: {  	p0 =	sne.s32 s1, $0x0;
	_ =	strace $0x90000047  }
0x48: {  	s0 =	sadd.s32 @!p0 $0x100000, s0;
	[bflag:$0x2] =	sbarrier.arrive $0xFFFF  }
0x49: {  	[sflag:s0] =	ssyncadd.tile.s32 @!p0 $0x1;
	_ =	shalt  }
.Lfunc_end2:
_tile_overlayer_lowered:
.L_overlay_start_2:
0x4a: {  	(tag) =	ssettag $0x2  }
0x4b: {  	s0 =	rddreg [dreg:$0x0];
	s2 =	stileid.u32  }
0x4c: {  	s1 =	rddreg [dreg:$0x1];
	p0 =	sne.s32 s2, $0x0  }
0x4d: {  	s3 =	rddreg [dreg:$0x2];
	[bflag:$0x3] =	sbarrier.arrive $0xFFFF;
	s2 =	simm.s32 @!p0 $0x1C02  }
0x4e: {  	[timem:s3], [sflag:s2] =	dma.local @!p0 [hbm:s0], s1  }
0x4f: {  	s0 =	simm.s32 @!p0 $0x2  }
0x50: {  	_ =	swait.ge @!p0 [sflag:s0], s1  }
0x51: {  	s1 =	ssub.s32 @!p0 $0x0, s1;
	[sflag:s0] =	ssyncset.done @!p0 $0x0  }
0x52: {  	[sflag:s0] =	ssyncadd.s32 @!p0 s1  }
0x53: {  	[bflag:$0x3] =	sbarrier.arrive $0xFFFF  }
0x54: {  	_ =	shalt  }

</sc_bundles>
